<compile_context>
chip_gen: v7x
topology: tpu7x:2x2x1
jax: 0.10.2.dev20260603
libtpu: 0.0.44.dev20260713+nightly
codegen_flags: <defaults>
</compile_context>

<pallas_src>
import functools

import jax
import jax.numpy as jnp
from jax import lax
from jax.experimental import pallas as pl
from jax.experimental.pallas import tpu as pltpu
from jax.experimental.pallas import tpu_sc as plsc

_N, _E, _D, _H, _G = 10000, 320000, 128, 128, 64
_SQRT2 = 1.4142135623730951

_NC, _NS = 2, 16
_NW = _NC * _NS
_RPT = _N // _NS

_K = 40
_NCH = _E // (_NW * _K)
_NB = 5
_ZR = 25

_DK = 80
_DNCH = _E // (_NW * _DK)


@functools.cache
def _sc_mesh():
    return plsc.VectorSubcoreMesh(
        core_axis_name="c", subcore_axis_name="s",
        num_cores=_NC, num_subcores=_NS)


def _memset_zero(zblk, acc, s, width):

    def fill(i, carry):
        def fill_col(j, carry2):
            zblk[i, pl.ds(j * 16, 16)] = jnp.zeros((16,), jnp.float32)
            return carry2

        return lax.fori_loop(0, width // 16, fill_col, carry)

    lax.fori_loop(0, _ZR, fill, 0)

    def cp(j, carry):
        pltpu.sync_copy(zblk, acc.at[pl.ds(s * _RPT + j * _ZR, _ZR)])
        return carry

    lax.fori_loop(0, _RPT // _ZR, cp, 0)



def _deg_body(dst_hbm, out_hbm, dstv, onesv, zblk, acc, sem):
    c = lax.axis_index("c")
    s = lax.axis_index("s")
    wid = c * _NS + s
    pltpu.sync_copy(dst_hbm.at[pl.ds(wid * _DNCH, _DNCH)], dstv)

    def fill(i, carry):
        onesv[i, :] = jnp.ones((16,), jnp.float32)
        return carry

    lax.fori_loop(0, _DK, fill, 0)
    _memset_zero(zblk, acc, s, 16)
    plsc.subcore_barrier()

    lag = 4
    for i in range(lag):
        pltpu.async_copy(onesv, acc.at[dstv.at[i]], sem, add=True)

    def body(i, carry):
        pltpu.async_copy(onesv, acc.at[dstv.at[i + lag]], sem, add=True)
        pltpu.make_async_copy(onesv, acc.at[dstv.at[i]], sem).wait()
        return carry

    lax.fori_loop(0, _DNCH - lag, body, 0)
    for i in range(_DNCH - lag, _DNCH):
        pltpu.make_async_copy(onesv, acc.at[dstv.at[i]], sem).wait()
    plsc.subcore_barrier()
    pltpu.sync_copy(acc.at[pl.ds(s * _RPT, _RPT)],
                    out_hbm.at[c].at[pl.ds(s * _RPT, _RPT)])


@jax.jit
def _sc_degree(dst2d):
    return pl.kernel(
        _deg_body,
        out_type=jax.ShapeDtypeStruct((_NC, _N, 16), jnp.float32),
        mesh=_sc_mesh(),
        scratch_types=[
            pltpu.VMEM((_DNCH, _DK), jnp.int32),
            pltpu.VMEM((_DK, 16), jnp.float32),
            pltpu.VMEM((_ZR, 16), jnp.float32),
            pltpu.VMEM_SHARED((_N, 16), jnp.float32),
            pltpu.SemaphoreType.DMA,
        ],
        compiler_params=pltpu.CompilerParams(use_tc_tiling_on_sc=False),
    )(dst2d)



def _agg_body(y_hbm, src_hbm, dst_hbm, out_hbm,
              srcv, dstv, r0, r1, r2, r3, r4, zblk,
              acc, gs0, gs1, gs2, gs3, gs4, ss0, ss1, ss2, ss3, ss4):
    rows = [r0, r1, r2, r3, r4]
    gsem = [gs0, gs1, gs2, gs3, gs4]
    ssem = [ss0, ss1, ss2, ss3, ss4]
    c = lax.axis_index("c")
    s = lax.axis_index("s")
    wid = c * _NS + s
    pltpu.sync_copy(src_hbm.at[pl.ds(wid * _NCH, _NCH)], srcv)
    pltpu.sync_copy(dst_hbm.at[pl.ds(wid * _NCH, _NCH)], dstv)
    for b in range(_NB):
        pltpu.async_copy(y_hbm.at[srcv.at[b]], rows[b], gsem[b])
    _memset_zero(zblk, acc, s, _H)
    plsc.subcore_barrier()

    def body(g, carry):
        for b in range(_NB):
            i = g * _NB + b
            pltpu.make_async_copy(y_hbm.at[srcv.at[i]], rows[b],
                                  gsem[b]).wait()
            pltpu.async_copy(rows[b], acc.at[dstv.at[i]], ssem[b], add=True)
            pltpu.make_async_copy(rows[b], acc.at[dstv.at[i]],
                                  ssem[b]).wait()
            pltpu.async_copy(y_hbm.at[srcv.at[i + _NB]], rows[b], gsem[b])
        return carry

    lax.fori_loop(0, _NCH // _NB - 1, body, 0)
    scats = []
    for b in range(_NB):
        i = _NCH - _NB + b
        pltpu.make_async_copy(y_hbm.at[srcv.at[i]], rows[b], gsem[b]).wait()
        scats.append(
            pltpu.async_copy(rows[b], acc.at[dstv.at[i]], ssem[b], add=True))
    for cp in scats:
        cp.wait()

    plsc.subcore_barrier()
    pltpu.sync_copy(acc.at[pl.ds(s * _RPT, _RPT)],
                    out_hbm.at[c].at[pl.ds(s * _RPT, _RPT)])


@jax.jit
def _sc_aggregate(y, src2d, dst2d):
    return pl.kernel(
        _agg_body,
        out_type=jax.ShapeDtypeStruct((_NC, _N, _H), jnp.float32),
        mesh=_sc_mesh(),
        scratch_types=[
            pltpu.VMEM((_NCH, _K), jnp.int32),
            pltpu.VMEM((_NCH, _K), jnp.int32),
        ] + [pltpu.VMEM((_K, _H), jnp.float32)] * _NB + [
            pltpu.VMEM((_ZR, _H), jnp.float32),
            pltpu.VMEM_SHARED((_N, _H), jnp.float32),
        ] + [pltpu.SemaphoreType.DMA] * (2 * _NB),
        compiler_params=pltpu.CompilerParams(use_tc_tiling_on_sc=False),
    )(y, src2d, dst2d)



def _gelu(x):
    return 0.5 * x * (1.0 + lax.erf(x / _SQRT2))


def _bn_gelu(gcn, g, be):
    m = jnp.mean(gcn, axis=0, keepdims=True)
    v = jnp.mean((gcn - m) ** 2, axis=0, keepdims=True)
    return _gelu((gcn - m) * lax.rsqrt(v + 1e-5) * g + be)


def _pre_body(x_ref, w_ref, degp_ref, y_ref, dinv_ref):
    deg = degp_ref[0, :, :1] + degp_ref[1, :, :1] + 1.0
    dinv = lax.rsqrt(deg)
    dinv_ref[...] = dinv
    y_ref[...] = dinv * jnp.dot(x_ref[...], w_ref[...],
                                preferred_element_type=jnp.float32)


def _mid_body(aggp_ref, y_ref, dinv_ref, b_ref, g_ref, be_ref, w_ref,
              out_ref):
    dinv = dinv_ref[...]
    gcn = dinv * (aggp_ref[0] + aggp_ref[1] + y_ref[...]) + b_ref[...]
    h = _bn_gelu(gcn, g_ref[...], be_ref[...])
    out_ref[...] = dinv * jnp.dot(h, w_ref[...],
                                  preferred_element_type=jnp.float32)


def _fin_body(aggp_ref, y_ref, dinv_ref, b_ref, g_ref, be_ref, batch_ref,
              lw1_ref, lb1_ref, lw2_ref, lb2_ref, out_ref):
    dinv = dinv_ref[...]
    gcn = dinv * (aggp_ref[0] + aggp_ref[1] + y_ref[...]) + b_ref[...]
    h = _bn_gelu(gcn, g_ref[...], be_ref[...])
    gids = lax.broadcasted_iota(jnp.int32, (_G, _N), 0)
    onehot = (batch_ref[...] == gids).astype(jnp.float32)
    sums = jnp.dot(onehot, h, preferred_element_type=jnp.float32,
                   precision=lax.Precision.HIGHEST)
    cnt = jnp.sum(onehot, axis=1, keepdims=True)
    pooled = sums / jnp.maximum(cnt, 1.0)
    o = pooled @ lw1_ref[...] + lb1_ref[...]
    o = jnp.where(o > 0, o, jnp.exp(jnp.minimum(o, 0.0)) - 1.0)
    out_ref[...] = o @ lw2_ref[...] + lb2_ref[...]


def kernel(x, edge_index, batch, edge_weight, W1, b1, g1, be1, W2, b2, g2,
           be2, W3, b3, g3, be3, lw1, lb1, lw2, lb2):
    src2d = edge_index[0].reshape(_E // _K, _K)
    dst2d = edge_index[1].reshape(_E // _K, _K)
    dst2d_deg = edge_index[1].reshape(_E // _DK, _DK)

    pre = pl.pallas_call(
        _pre_body, out_shape=[jax.ShapeDtypeStruct((_N, _H), jnp.float32),
                              jax.ShapeDtypeStruct((_N, 1), jnp.float32)])
    mid = pl.pallas_call(
        _mid_body, out_shape=jax.ShapeDtypeStruct((_N, _H), jnp.float32))
    fin = pl.pallas_call(
        _fin_body, out_shape=jax.ShapeDtypeStruct((_G, 1), jnp.float32))

    degp = _sc_degree(dst2d_deg)
    y1, dinv = pre(x, W1, degp)

    agg1 = _sc_aggregate(y1, src2d, dst2d)
    y2 = mid(agg1, y1, dinv, b1.reshape(1, _H), g1.reshape(1, _H),
             be1.reshape(1, _H), W2)
    agg2 = _sc_aggregate(y2, src2d, dst2d)
    y3 = mid(agg2, y2, dinv, b2.reshape(1, _H), g2.reshape(1, _H),
             be2.reshape(1, _H), W3)
    agg3 = _sc_aggregate(y3, src2d, dst2d)
    out = fin(agg3, y3, dinv, b3.reshape(1, _H), g3.reshape(1, _H),
              be3.reshape(1, _H), batch.reshape(1, _N),
              lw1, lb1.reshape(1, _H // 2), lw2, lb2.reshape(1, 1))
    return out

# --- scband reference (transcript-rebuilt; emitter-appended) ---
"""Pipeline reference for scband-my-gcn-53455162966062 (READ-ONLY COPY).

The authoritative reference and input builder live on the scoring server;
editing this copy changes nothing except your own understanding.
"""

import jax, jax.numpy as jnp
import numpy as np

N = 10000
E = 320000
D = 128
H = 128
G = 64


def setup_inputs(seed: int = 0):
    key = jax.random.key(seed)
    ks = jax.random.split(key, 20)

    def lin(k, fi, fo):
        return jax.random.normal(k, (fi, fo), dtype=jnp.float32) / np.sqrt(fi)

    inp = {}
    inp["x"] = jax.random.normal(ks[0], (N, D), dtype=jnp.float32)
    inp["edge_index"] = jax.random.randint(ks[1], (2, E), 0, N, dtype=jnp.int32)
    inp["batch"] = jnp.sort(jax.random.randint(ks[2], (N,), 0, G, dtype=jnp.int32))
    inp["edge_weight"] = jax.random.uniform(ks[3], (E,), dtype=jnp.float32)
    inp["W1"] = lin(ks[4], D, H)
    inp["b1"] = jnp.zeros((H,), jnp.float32)
    inp["g1"] = jnp.ones((H,), jnp.float32)
    inp["be1"] = jnp.zeros((H,), jnp.float32)
    inp["W2"] = lin(ks[5], H, H)
    inp["b2"] = jnp.zeros((H,), jnp.float32)
    inp["g2"] = jnp.ones((H,), jnp.float32)
    inp["be2"] = jnp.zeros((H,), jnp.float32)
    inp["W3"] = lin(ks[6], H, H)
    inp["b3"] = jnp.zeros((H,), jnp.float32)
    inp["g3"] = jnp.ones((H,), jnp.float32)
    inp["be3"] = jnp.zeros((H,), jnp.float32)
    inp["lw1"] = lin(ks[7], H, H // 2)
    inp["lb1"] = jnp.zeros((H // 2,), jnp.float32)
    inp["lw2"] = lin(ks[8], H // 2, 1)
    inp["lb2"] = jnp.zeros((1,), jnp.float32)
    return inp


def _gcn(x, ei, W, b):
    # GCNConv: add self-loops, symmetric D^-1/2 (A+I) D^-1/2 normalization
    loop = jnp.arange(N, dtype=ei.dtype)
    src = jnp.concatenate([ei[0], loop])
    dst = jnp.concatenate([ei[1], loop])
    deg = jax.ops.segment_sum(jnp.ones_like(dst, dtype=jnp.float32), dst, num_segments=N)
    dinv = jnp.where(deg > 0, jax.lax.rsqrt(jnp.maximum(deg, 1e-12)), 0.0)
    norm = dinv[src] * dinv[dst]
    xw = x @ W
    out = jax.ops.segment_sum(xw[src] * norm[:, None], dst, num_segments=N)
    return out + b


def _bn(x, g, b):
    # BatchNorm1d in training mode: batch statistics, biased variance
    m = jnp.mean(x, axis=0)
    v = jnp.var(x, axis=0)
    return (x - m) * jax.lax.rsqrt(v + 1e-5) * g + b


def reference(x, edge_index, batch, edge_weight, W1, b1, g1, be1, W2, b2, g2, be2, W3, b3, g3, be3, lw1, lb1, lw2, lb2):
    h = jax.nn.gelu(_bn(_gcn(x, edge_index, W1, b1), g1, be1), approximate=False)
    h = jax.nn.gelu(_bn(_gcn(h, edge_index, W2, b2), g2, be2), approximate=False)
    h = jax.nn.gelu(_bn(_gcn(h, edge_index, W3, b3), g3, be3), approximate=False)
    s = jax.ops.segment_sum(h, batch, num_segments=G)
    cnt = jax.ops.segment_sum(jnp.ones((N,), jnp.float32), batch, num_segments=G)
    pooled = s / jnp.maximum(cnt, 1.0)[:, None]
    o = jax.nn.elu(pooled @ lw1 + lb1)
    return o @ lw2 + lb2

if __name__ == "__main__":
    import jax
    _d = setup_inputs()
    print(jax.jit(kernel)(*tuple(_d.values())))

</pallas_src>

<mosaic_0001>
#map = affine_map<(d0, d1) -> (0, 0)>
#map1 = affine_map<(d0, d1) -> (0, 0, 0)>
module attributes {stable_mosaic.version = 14 : i64} {
  func.func @_deg_body(%arg0: i32, %arg1: i32, %arg2: memref<4000x80xi32, #tpu.memory_space<hbm>>, %arg3: memref<2x10000x16xf32, #tpu.memory_space<hbm>>, %arg4: memref<125x80xi32, #tpu.memory_space<vmem>>, %arg5: memref<80x16xf32, #tpu.memory_space<vmem>>, %arg6: memref<25x16xf32, #tpu.memory_space<vmem>>, %arg7: memref<10000x16xf32, #tpu.memory_space<vmem_shared>>, %arg8: memref<!tpu.dma_semaphore, #tpu.memory_space<semaphore_mem>>) attributes {dimension_semantics = [#tpu.dimension_semantics<core_parallel>, #tpu.dimension_semantics<subcore_parallel>], iteration_bounds = array<i64: 2, 16>, scalar_prefetch = 0 : i64, scratch_operands = 5 : i64, tpu.core_type = #tpu.core_type<sc_vector_subcore>, window_params = [{transform_indices = #map}, {transform_indices = #map1}]} {
    %mul3A = arith.constant 16 : i32
    %mul3A_0 = arith.muli %arg0, %mul3A : i32
    %add3A = arith.addi %mul3A_0, %arg1 : i32
    %mul3A_1 = arith.constant 125 : i32
    %mul3A_2 = arith.muli %add3A, %mul3A_1 : i32
    "tpu.region"() ({
      %run_scoped3A = tpu.sem_alloc : memref<!tpu.dma_semaphore, #tpu.memory_space<semaphore_mem>>
      %dma_start3A_85 = arith.constant 0 : i32
      %dma_start3A_86 = tpu.memref_slice %arg2[%mul3A_2, %dma_start3A_85] : memref<4000x80xi32, #tpu.memory_space<hbm>> -> memref<125x80xi32, #tpu.memory_space<hbm>>
      %dma_start3A_87 = arith.constant 0 : i32
      %dma_start3A_88 = tpu.memref_slice %arg2[%mul3A_2, %dma_start3A_87] : memref<4000x80xi32, #tpu.memory_space<hbm>> -> memref<125x80xi32, #tpu.memory_space<hbm>>
      tpu.enqueue_dma source(%dma_start3A_88 : memref<125x80xi32, #tpu.memory_space<hbm>>) target(%arg4 : memref<125x80xi32, #tpu.memory_space<vmem>>) target_semaphore(%run_scoped3A : memref<!tpu.dma_semaphore, #tpu.memory_space<semaphore_mem>>)
      %dma_wait3A_89 = arith.constant 0 : i32
      %dma_wait3A_90 = tpu.memref_slice %arg2[%mul3A_2, %dma_wait3A_89] : memref<4000x80xi32, #tpu.memory_space<hbm>> -> memref<125x80xi32, #tpu.memory_space<hbm>>
      %dma_wait3A_91 = arith.constant 0 : i32
      %dma_wait3A_92 = tpu.memref_slice %arg2[%mul3A_2, %dma_wait3A_91] : memref<4000x80xi32, #tpu.memory_space<hbm>> -> memref<125x80xi32, #tpu.memory_space<hbm>>
      tpu.wait_dma2 semaphore(%run_scoped3A : memref<!tpu.dma_semaphore, #tpu.memory_space<semaphore_mem>>) src(%dma_wait3A_92 : memref<125x80xi32, #tpu.memory_space<hbm>>) dst(%arg4 : memref<125x80xi32, #tpu.memory_space<vmem>>)
      tpu.yield
    }) : () -> ()
    %scan3A = arith.constant 0 : i32
    %scan3A_3 = arith.constant 0 : i32
    %scan3A_4 = arith.constant 80 : i32
    %scan3A_5 = arith.addi %scan3A_3, %scan3A_4 : i32
    %scan3A_6 = arith.constant 1 : i32
    scf.for %scan3A_85 = %scan3A_3 to %scan3A_5 step %scan3A_6  : i32 {
      %broadcast_in_dim3A = arith.constant 1.000000e+00 : f32
      %broadcast_in_dim3A_86 = vector.broadcast %broadcast_in_dim3A : f32 to vector<16xf32>
      %swap3A = arith.index_cast %scan3A_85 : i32 to index
      %swap3A_87 = arith.constant 0 : index
      %swap3A_88 = tpu.vector_load %arg5[%swap3A, %swap3A_87] {strides = array<i32>} : memref<80x16xf32, #tpu.memory_space<vmem>>, vector<1x16xf32>,
      %swap3A_89 = vector.shape_cast %swap3A_88 : vector<1x16xf32> to vector<16xf32>
      %swap3A_90 = vector.shape_cast %broadcast_in_dim3A_86 : vector<16xf32> to vector<1x16xf32>
      tpu.vector_store %arg5[%swap3A, %swap3A_87], %swap3A_90 {strides = array<i32>} : memref<80x16xf32, #tpu.memory_space<vmem>>, vector<1x16xf32>,
    }
    %scan3A_7 = arith.constant 80 : i32
    %scan3A_8 = arith.constant 0 : i32
    %scan3A_9 = arith.constant 0 : i32
    %scan3A_10 = arith.constant 25 : i32
    %scan3A_11 = arith.addi %scan3A_9, %scan3A_10 : i32
    %scan3A_12 = arith.constant 1 : i32
    scf.for %scan3A_85 = %scan3A_9 to %scan3A_11 step %scan3A_12  : i32 {
      %scan3A_86 = arith.constant 0 : i32
      %broadcast_in_dim3A = arith.constant 0.000000e+00 : f32
      %broadcast_in_dim3A_87 = vector.broadcast %broadcast_in_dim3A : f32 to vector<16xf32>
      %mul3A_88 = arith.constant 16 : i32
      %mul3A_89 = arith.muli %scan3A_86, %mul3A_88 : i32
      %swap3A = arith.index_cast %scan3A_85 : i32 to index
      %swap3A_90 = arith.index_cast %mul3A_89 : i32 to index
      %swap3A_91 = tpu.vector_load %arg6[%swap3A, %swap3A_90] {strides = array<i32>} : memref<25x16xf32, #tpu.memory_space<vmem>>, vector<1x16xf32>,
      %swap3A_92 = vector.shape_cast %swap3A_91 : vector<1x16xf32> to vector<16xf32>
      %swap3A_93 = vector.shape_cast %broadcast_in_dim3A_87 : vector<16xf32> to vector<1x16xf32>
      tpu.vector_store %arg6[%swap3A, %swap3A_90], %swap3A_93 {strides = array<i32>} : memref<25x16xf32, #tpu.memory_space<vmem>>, vector<1x16xf32>,
      %scan3A_94 = arith.constant 1 : i32
    }
    %scan3A_13 = arith.constant 25 : i32
    %scan3A_14 = arith.constant 0 : i32
    %scan3A_15 = arith.constant 0 : i32
    %scan3A_16 = arith.constant 25 : i32
    %scan3A_17 = arith.addi %scan3A_15, %scan3A_16 : i32
    %scan3A_18 = arith.constant 1 : i32
    scf.for %scan3A_85 = %scan3A_15 to %scan3A_17 step %scan3A_18  : i32 {
      %mul3A_86 = arith.constant 625 : i32
      %mul3A_87 = arith.muli %arg1, %mul3A_86 : i32
      %mul3A_88 = arith.constant 25 : i32
      %mul3A_89 = arith.muli %scan3A_85, %mul3A_88 : i32
      %add3A_90 = arith.addi %mul3A_87, %mul3A_89 : i32
      "tpu.region"() ({
        %run_scoped3A = tpu.sem_alloc : memref<!tpu.dma_semaphore, #tpu.memory_space<semaphore_mem>>
        %dma_start3A_91 = arith.constant 0 : i32
        %dma_start3A_92 = tpu.memref_slice %arg7[%add3A_90, %dma_start3A_91] : memref<10000x16xf32, #tpu.memory_space<vmem_shared>> -> memref<25x16xf32, #tpu.memory_space<vmem_shared>>
        %dma_start3A_93 = arith.constant 0 : i32
        %dma_start3A_94 = tpu.memref_slice %arg7[%add3A_90, %dma_start3A_93] : memref<10000x16xf32, #tpu.memory_space<vmem_shared>> -> memref<25x16xf32, #tpu.memory_space<vmem_shared>>
        tpu.enqueue_dma source(%arg6 : memref<25x16xf32, #tpu.memory_space<vmem>>) target(%dma_start3A_94 : memref<25x16xf32, #tpu.memory_space<vmem_shared>>) target_semaphore(%run_scoped3A : memref<!tpu.dma_semaphore, #tpu.memory_space<semaphore_mem>>)
        %dma_wait3A_95 = arith.constant 0 : i32
        %dma_wait3A_96 = tpu.memref_slice %arg7[%add3A_90, %dma_wait3A_95] : memref<10000x16xf32, #tpu.memory_space<vmem_shared>> -> memref<25x16xf32, #tpu.memory_space<vmem_shared>>
        %dma_wait3A_97 = arith.constant 0 : i32
        %dma_wait3A_98 = tpu.memref_slice %arg7[%add3A_90, %dma_wait3A_97] : memref<10000x16xf32, #tpu.memory_space<vmem_shared>> -> memref<25x16xf32, #tpu.memory_space<vmem_shared>>
        tpu.wait_dma2 semaphore(%run_scoped3A : memref<!tpu.dma_semaphore, #tpu.memory_space<semaphore_mem>>) src(%arg6 : memref<25x16xf32, #tpu.memory_space<vmem>>) dst(%dma_wait3A_98 : memref<25x16xf32, #tpu.memory_space<vmem_shared>>)
        tpu.yield
      }) : () -> ()
    }
    %scan3A_19 = arith.constant 25 : i32
    %barrier3A = arith.constant 0 : index
    tpu.barrier barrier_id(%barrier3A)
    %dma_start3A = arith.constant 0 : i32
    %dma_start3A_20 = arith.constant 0 : i32
    %dma_start3A_21 = tpu.memref_slice %arg4[%dma_start3A, %dma_start3A_20] : memref<125x80xi32, #tpu.memory_space<vmem>> -> memref<1x80xi32, #tpu.memory_space<vmem>>
    %dma_start3A_22 = tpu.memref_squeeze %dma_start3A_21 : memref<1x80xi32, #tpu.memory_space<vmem>> -> memref<80xi32, #tpu.memory_space<vmem>>
    %dma_start3A_23 = arith.constant 0 : i32
    %dma_start3A_24 = arith.constant 0 : i32
    %dma_start3A_25 = tpu.memref_slice %arg7[%dma_start3A_23, %dma_start3A_24] : memref<10000x16xf32, #tpu.memory_space<vmem_shared>> -> memref<10000x16xf32, #tpu.memory_space<vmem_shared>>
    tpu.enqueue_indirect_dma source(%arg5 : memref<80x16xf32, #tpu.memory_space<vmem>>) target(%dma_start3A_25 : memref<10000x16xf32, #tpu.memory_space<vmem_shared>>) offsets(%dma_start3A_22 : memref<80xi32, #tpu.memory_space<vmem>>) semaphore(%arg8 : memref<!tpu.dma_semaphore, #tpu.memory_space<semaphore_mem>>) {add = true}
    %dma_start3A_26 = arith.constant 1 : i32
    %dma_start3A_27 = arith.constant 0 : i32
    %dma_start3A_28 = tpu.memref_slice %arg4[%dma_start3A_26, %dma_start3A_27] : memref<125x80xi32, #tpu.memory_space<vmem>> -> memref<1x80xi32, #tpu.memory_space<vmem>>
    %dma_start3A_29 = tpu.memref_squeeze %dma_start3A_28 : memref<1x80xi32, #tpu.memory_space<vmem>> -> memref<80xi32, #tpu.memory_space<vmem>>
    %dma_start3A_30 = arith.constant 0 : i32
    %dma_start3A_31 = arith.constant 0 : i32
    %dma_start3A_32 = tpu.memref_slice %arg7[%dma_start3A_30, %dma_start3A_31] : memref<10000x16xf32, #tpu.memory_space<vmem_shared>> -> memref<10000x16xf32, #tpu.memory_space<vmem_shared>>
    tpu.enqueue_indirect_dma source(%arg5 : memref<80x16xf32, #tpu.memory_space<vmem>>) target(%dma_start3A_32 : memref<10000x16xf32, #tpu.memory_space<vmem_shared>>) offsets(%dma_start3A_29 : memref<80xi32, #tpu.memory_space<vmem>>) semaphore(%arg8 : memref<!tpu.dma_semaphore, #tpu.memory_space<semaphore_mem>>) {add = true}
    %dma_start3A_33 = arith.constant 2 : i32
    %dma_start3A_34 = arith.constant 0 : i32
    %dma_start3A_35 = tpu.memref_slice %arg4[%dma_start3A_33, %dma_start3A_34] : memref<125x80xi32, #tpu.memory_space<vmem>> -> memref<1x80xi32, #tpu.memory_space<vmem>>
    %dma_start3A_36 = tpu.memref_squeeze %dma_start3A_35 : memref<1x80xi32, #tpu.memory_space<vmem>> -> memref<80xi32, #tpu.memory_space<vmem>>
    %dma_start3A_37 = arith.constant 0 : i32
    %dma_start3A_38 = arith.constant 0 : i32
    %dma_start3A_39 = tpu.memref_slice %arg7[%dma_start3A_37, %dma_start3A_38] : memref<10000x16xf32, #tpu.memory_space<vmem_shared>> -> memref<10000x16xf32, #tpu.memory_space<vmem_shared>>
    tpu.enqueue_indirect_dma source(%arg5 : memref<80x16xf32, #tpu.memory_space<vmem>>) target(%dma_start3A_39 : memref<10000x16xf32, #tpu.memory_space<vmem_shared>>) offsets(%dma_start3A_36 : memref<80xi32, #tpu.memory_space<vmem>>) semaphore(%arg8 : memref<!tpu.dma_semaphore, #tpu.memory_space<semaphore_mem>>) {add = true}
    %dma_start3A_40 = arith.constant 3 : i32
    %dma_start3A_41 = arith.constant 0 : i32
    %dma_start3A_42 = tpu.memref_slice %arg4[%dma_start3A_40, %dma_start3A_41] : memref<125x80xi32, #tpu.memory_space<vmem>> -> memref<1x80xi32, #tpu.memory_space<vmem>>
    %dma_start3A_43 = tpu.memref_squeeze %dma_start3A_42 : memref<1x80xi32, #tpu.memory_space<vmem>> -> memref<80xi32, #tpu.memory_space<vmem>>
    %dma_start3A_44 = arith.constant 0 : i32
    %dma_start3A_45 = arith.constant 0 : i32
    %dma_start3A_46 = tpu.memref_slice %arg7[%dma_start3A_44, %dma_start3A_45] : memref<10000x16xf32, #tpu.memory_space<vmem_shared>> -> memref<10000x16xf32, #tpu.memory_space<vmem_shared>>
    tpu.enqueue_indirect_dma source(%arg5 : memref<80x16xf32, #tpu.memory_space<vmem>>) target(%dma_start3A_46 : memref<10000x16xf32, #tpu.memory_space<vmem_shared>>) offsets(%dma_start3A_43 : memref<80xi32, #tpu.memory_space<vmem>>) semaphore(%arg8 : memref<!tpu.dma_semaphore, #tpu.memory_space<semaphore_mem>>) {add = true}
    %scan3A_47 = arith.constant 0 : i32
    %scan3A_48 = arith.constant 0 : i32
    %scan3A_49 = arith.constant 121 : i32
    %scan3A_50 = arith.addi %scan3A_48, %scan3A_49 : i32
    %scan3A_51 = arith.constant 1 : i32
    scf.for %scan3A_85 = %scan3A_48 to %scan3A_50 step %scan3A_51  : i32 {
      %add3A_86 = arith.constant 4 : i32
      %add3A_87 = arith.addi %scan3A_85, %add3A_86 : i32
      %dma_start3A_88 = arith.constant 0 : i32
      %dma_start3A_89 = tpu.memref_slice %arg4[%add3A_87, %dma_start3A_88] : memref<125x80xi32, #tpu.memory_space<vmem>> -> memref<1x80xi32, #tpu.memory_space<vmem>>
      %dma_start3A_90 = tpu.memref_squeeze %dma_start3A_89 : memref<1x80xi32, #tpu.memory_space<vmem>> -> memref<80xi32, #tpu.memory_space<vmem>>
      %dma_start3A_91 = arith.constant 0 : i32
      %dma_start3A_92 = arith.constant 0 : i32
      %dma_start3A_93 = tpu.memref_slice %arg7[%dma_start3A_91, %dma_start3A_92] : memref<10000x16xf32, #tpu.memory_space<vmem_shared>> -> memref<10000x16xf32, #tpu.memory_space<vmem_shared>>
      tpu.enqueue_indirect_dma source(%arg5 : memref<80x16xf32, #tpu.memory_space<vmem>>) target(%dma_start3A_93 : memref<10000x16xf32, #tpu.memory_space<vmem_shared>>) offsets(%dma_start3A_90 : memref<80xi32, #tpu.memory_space<vmem>>) semaphore(%arg8 : memref<!tpu.dma_semaphore, #tpu.memory_space<semaphore_mem>>) {add = true}
      %dma_wait3A_94 = arith.constant 0 : i32
      %dma_wait3A_95 = tpu.memref_slice %arg4[%scan3A_85, %dma_wait3A_94] : memref<125x80xi32, #tpu.memory_space<vmem>> -> memref<1x80xi32, #tpu.memory_space<vmem>>
      %dma_wait3A_96 = tpu.memref_squeeze %dma_wait3A_95 : memref<1x80xi32, #tpu.memory_space<vmem>> -> memref<80xi32, #tpu.memory_space<vmem>>
      %dma_wait3A_97 = arith.constant 0 : i32
      %dma_wait3A_98 = arith.constant 0 : i32
      %dma_wait3A_99 = tpu.memref_slice %arg7[%dma_wait3A_97, %dma_wait3A_98] : memref<10000x16xf32, #tpu.memory_space<vmem_shared>> -> memref<10000x16xf32, #tpu.memory_space<vmem_shared>>
      tpu.wait_indirect_dma semaphore(%arg8 : memref<!tpu.dma_semaphore, #tpu.memory_space<semaphore_mem>>) src(%arg5 : memref<80x16xf32, #tpu.memory_space<vmem>>) dst(%dma_wait3A_99 : memref<10000x16xf32, #tpu.memory_space<vmem_shared>>)
    }
    %scan3A_52 = arith.constant 121 : i32
    %dma_wait3A = arith.constant 121 : i32
    %dma_wait3A_53 = arith.constant 0 : i32
    %dma_wait3A_54 = tpu.memref_slice %arg4[%dma_wait3A, %dma_wait3A_53] : memref<125x80xi32, #tpu.memory_space<vmem>> -> memref<1x80xi32, #tpu.memory_space<vmem>>
    %dma_wait3A_55 = tpu.memref_squeeze %dma_wait3A_54 : memref<1x80xi32, #tpu.memory_space<vmem>> -> memref<80xi32, #tpu.memory_space<vmem>>
    %dma_wait3A_56 = arith.constant 0 : i32
    %dma_wait3A_57 = arith.constant 0 : i32
    %dma_wait3A_58 = tpu.memref_slice %arg7[%dma_wait3A_56, %dma_wait3A_57] : memref<10000x16xf32, #tpu.memory_space<vmem_shared>> -> memref<10000x16xf32, #tpu.memory_space<vmem_shared>>
    tpu.wait_indirect_dma semaphore(%arg8 : memref<!tpu.dma_semaphore, #tpu.memory_space<semaphore_mem>>) src(%arg5 : memref<80x16xf32, #tpu.memory_space<vmem>>) dst(%dma_wait3A_58 : memref<10000x16xf32, #tpu.memory_space<vmem_shared>>)
    %dma_wait3A_59 = arith.constant 122 : i32
    %dma_wait3A_60 = arith.constant 0 : i32
    %dma_wait3A_61 = tpu.memref_slice %arg4[%dma_wait3A_59, %dma_wait3A_60] : memref<125x80xi32, #tpu.memory_space<vmem>> -> memref<1x80xi32, #tpu.memory_space<vmem>>
    %dma_wait3A_62 = tpu.memref_squeeze %dma_wait3A_61 : memref<1x80xi32, #tpu.memory_space<vmem>> -> memref<80xi32, #tpu.memory_space<vmem>>
    %dma_wait3A_63 = arith.constant 0 : i32
    %dma_wait3A_64 = arith.constant 0 : i32
    %dma_wait3A_65 = tpu.memref_slice %arg7[%dma_wait3A_63, %dma_wait3A_64] : memref<10000x16xf32, #tpu.memory_space<vmem_shared>> -> memref<10000x16xf32, #tpu.memory_space<vmem_shared>>
    tpu.wait_indirect_dma semaphore(%arg8 : memref<!tpu.dma_semaphore, #tpu.memory_space<semaphore_mem>>) src(%arg5 : memref<80x16xf32, #tpu.memory_space<vmem>>) dst(%dma_wait3A_65 : memref<10000x16xf32, #tpu.memory_space<vmem_shared>>)
    %dma_wait3A_66 = arith.constant 123 : i32
    %dma_wait3A_67 = arith.constant 0 : i32
    %dma_wait3A_68 = tpu.memref_slice %arg4[%dma_wait3A_66, %dma_wait3A_67] : memref<125x80xi32, #tpu.memory_space<vmem>> -> memref<1x80xi32, #tpu.memory_space<vmem>>
    %dma_wait3A_69 = tpu.memref_squeeze %dma_wait3A_68 : memref<1x80xi32, #tpu.memory_space<vmem>> -> memref<80xi32, #tpu.memory_space<vmem>>
    %dma_wait3A_70 = arith.constant 0 : i32
    %dma_wait3A_71 = arith.constant 0 : i32
    %dma_wait3A_72 = tpu.memref_slice %arg7[%dma_wait3A_70, %dma_wait3A_71] : memref<10000x16xf32, #tpu.memory_space<vmem_shared>> -> memref<10000x16xf32, #tpu.memory_space<vmem_shared>>
    tpu.wait_indirect_dma semaphore(%arg8 : memref<!tpu.dma_semaphore, #tpu.memory_space<semaphore_mem>>) src(%arg5 : memref<80x16xf32, #tpu.memory_space<vmem>>) dst(%dma_wait3A_72 : memref<10000x16xf32, #tpu.memory_space<vmem_shared>>)
    %dma_wait3A_73 = arith.constant 124 : i32
    %dma_wait3A_74 = arith.constant 0 : i32
    %dma_wait3A_75 = tpu.memref_slice %arg4[%dma_wait3A_73, %dma_wait3A_74] : memref<125x80xi32, #tpu.memory_space<vmem>> -> memref<1x80xi32, #tpu.memory_space<vmem>>
    %dma_wait3A_76 = tpu.memref_squeeze %dma_wait3A_75 : memref<1x80xi32, #tpu.memory_space<vmem>> -> memref<80xi32, #tpu.memory_space<vmem>>
    %dma_wait3A_77 = arith.constant 0 : i32
    %dma_wait3A_78 = arith.constant 0 : i32
    %dma_wait3A_79 = tpu.memref_slice %arg7[%dma_wait3A_77, %dma_wait3A_78] : memref<10000x16xf32, #tpu.memory_space<vmem_shared>> -> memref<10000x16xf32, #tpu.memory_space<vmem_shared>>
    tpu.wait_indirect_dma semaphore(%arg8 : memref<!tpu.dma_semaphore, #tpu.memory_space<semaphore_mem>>) src(%arg5 : memref<80x16xf32, #tpu.memory_space<vmem>>) dst(%dma_wait3A_79 : memref<10000x16xf32, #tpu.memory_space<vmem_shared>>)
    %barrier3A_80 = arith.constant 0 : index
    tpu.barrier barrier_id(%barrier3A_80)
    %mul3A_81 = arith.constant 625 : i32
    %mul3A_82 = arith.muli %arg1, %mul3A_81 : i32
    %mul3A_83 = arith.constant 625 : i32
    %mul3A_84 = arith.muli %arg1, %mul3A_83 : i32
    "tpu.region"() ({
      %run_scoped3A = tpu.sem_alloc : memref<!tpu.dma_semaphore, #tpu.memory_space<semaphore_mem>>
      %dma_start3A_85 = arith.constant 0 : i32
      %dma_start3A_86 = arith.constant 0 : i32
      %dma_start3A_87 = tpu.memref_slice %arg3[%arg0, %dma_start3A_85, %dma_start3A_86] : memref<2x10000x16xf32, #tpu.memory_space<hbm>> -> memref<1x10000x16xf32, #tpu.memory_space<hbm>>
      %dma_start3A_88 = tpu.memref_squeeze %dma_start3A_87 : memref<1x10000x16xf32, #tpu.memory_space<hbm>> -> memref<10000x16xf32, #tpu.memory_space<hbm>>
      %dma_start3A_89 = arith.constant 0 : i32
      %dma_start3A_90 = tpu.memref_slice %dma_start3A_88[%mul3A_84, %dma_start3A_89] : memref<10000x16xf32, #tpu.memory_space<hbm>> -> memref<625x16xf32, #tpu.memory_space<hbm>>
      %dma_start3A_91 = arith.constant 0 : i32
      %dma_start3A_92 = tpu.memref_slice %arg7[%mul3A_82, %dma_start3A_91] : memref<10000x16xf32, #tpu.memory_space<vmem_shared>> -> memref<625x16xf32, #tpu.memory_space<vmem_shared>>
      tpu.enqueue_dma source(%dma_start3A_92 : memref<625x16xf32, #tpu.memory_space<vmem_shared>>) target(%dma_start3A_90 : memref<625x16xf32, #tpu.memory_space<hbm>>) target_semaphore(%run_scoped3A : memref<!tpu.dma_semaphore, #tpu.memory_space<semaphore_mem>>)
      %dma_wait3A_93 = arith.constant 0 : i32
      %dma_wait3A_94 = arith.constant 0 : i32
      %dma_wait3A_95 = tpu.memref_slice %arg3[%arg0, %dma_wait3A_93, %dma_wait3A_94] : memref<2x10000x16xf32, #tpu.memory_space<hbm>> -> memref<1x10000x16xf32, #tpu.memory_space<hbm>>
      %dma_wait3A_96 = tpu.memref_squeeze %dma_wait3A_95 : memref<1x10000x16xf32, #tpu.memory_space<hbm>> -> memref<10000x16xf32, #tpu.memory_space<hbm>>
      %dma_wait3A_97 = arith.constant 0 : i32
      %dma_wait3A_98 = tpu.memref_slice %dma_wait3A_96[%mul3A_84, %dma_wait3A_97] : memref<10000x16xf32, #tpu.memory_space<hbm>> -> memref<625x16xf32, #tpu.memory_space<hbm>>
      %dma_wait3A_99 = arith.constant 0 : i32
      %dma_wait3A_100 = tpu.memref_slice %arg7[%mul3A_82, %dma_wait3A_99] : memref<10000x16xf32, #tpu.memory_space<vmem_shared>> -> memref<625x16xf32, #tpu.memory_space<vmem_shared>>
      tpu.wait_dma2 semaphore(%run_scoped3A : memref<!tpu.dma_semaphore, #tpu.memory_space<semaphore_mem>>) src(%dma_wait3A_100 : memref<625x16xf32, #tpu.memory_space<vmem_shared>>) dst(%dma_wait3A_98 : memref<625x16xf32, #tpu.memory_space<hbm>>)
      tpu.yield
    }) : () -> ()
    return
  }
}

</mosaic_0001>

<sc_bundles>
// kernel: _sc_degree.3.cloned.1.call-start
scs
__scs_entry_jumppad:
0x0: {  	(pc) =	sbr.rel $0x88, $3  }
0x1: {  	(tag) =	ssettag $0x0;
	lr =	simm.s32 $0x1  }
0x2: {  	[smem:$0x3FA0] =	sst lr;
	_ =	strace $0xD0000000  }
0x3: {  	_ = 	snop  }
0x4: {  	_ = 	snop  }
0x5: {  	_ = 	snop  }
0x6: {  	_ = 	snop  }
0x7: {  	_ = 	snop  }
__scs_overlays_trampoline_lowered:
0x8: {  	[smem:$0x3FAF] =	sst s0  }
0x9: {  	[smem:$0x3FB0] =	sst s1  }
0xa: {  	[smem:$0x3FB1] =	sst s2  }
0xb: {  	[smem:$0x3FB2] =	sst s3  }
0xc: {  	[smem:$0x3FB3] =	sst s4  }
0xd: {  	[smem:$0x3FB4] =	sst s5  }
0xe: {  	[smem:$0x3FB5] =	sst s6  }
0xf: {  	[smem:$0x3FB6] =	sst s7  }
0x10: {  	[smem:$0x3FB7] =	sst s8  }
0x11: {  	[smem:$0x3FB8] =	sst s9;
	s0 =	simm.s32 @!p0 $0x0  }
0x12: {  	s1 =	sld [smem:$0x3F9E];
	s0 =	simm.s32 @p0 $0x1  }
0x13: {  	[smem:$0x3FB9] =	sst s0;
	s0 =	simm.s32 @!p1 $0x0  }
0x14: {  	s2 =	sld [smem:$0x3F9D];
	s0 =	simm.s32 @p1 $0x1  }
0x15: {  	[smem:$0x3FBA] =	sst s0;
	s0 =	simm.s32 @!p2 $0x0  }
0x16: {  	s3 =	sld [smem:$0x3FDB];
	s0 =	simm.s32 @p2 $0x1  }
0x17: {  	s4 =	simm.s32 $0x1BF5;
	[smem:$0x3FBC] =	sst s0  }
0x18: {  	s0 =	sld [smem:$0x3F9F];
	_ =	swait.ge [sflag:s4], $0x0  }
0x19: {  	s7 =	sld [smem:$0x3FA0]  }
0x1a: {  	s8 =	sadd.s32 $0xFFFFE003, lr  }
0x1b: {  	s9 =	sadd.s32 $0xFFFFFEF7, lr;
	s5 =	simm.s32 $0xFFFFFFFF;
	p2 =	slt.u32 s8, $0xFFFFF086  }
0x1c: {  	p1 =	slt.u32 s9, $0xF7A;
	s5 =	simm.s32 @!p2 $0x0  }
0x1d: {  	s5 =	simm.s32 @p1 $0x1;
	p0 =	seq.s32 s7, s2  }
0x1e: {  	s7 =	smul.u32 @!p0 $0xF7A, s2;
	p2 =	seq.s32 @!p0 s5, $0x0  }
0x1f: {  	s9 =	smul.u32 $0xF7A, s1;
	s8 =	simm.s32 @!p0 $0x1BF5;
	p2 =	por !p2, p0  }
0x20: {  	[sflag:s8] =	ssyncset.s32 @!p0 $0xFFFFF086;
	s6 =	sadd.s32 @!p0 s3, s7;
	s7 =	simm.s32 @!p0 $0x108  }
0x21: {  	s3 =	sadd.s32 s3, s9;
	s6 =	sadd.s32 @!p0 $0x88, s6;
	s7 =	simm.s32 @p2 $0x1082  }
0x22: {  	[simem:s7], [sflag:s8] =	dma.local @!p0 [hbm:s6], $0xF7A  }
0x23: {  	s9 =	sor.u32 $0xD0000000, s2;
	s6 =	simm.s32 $0x108;
	_ =	swait.ge @!p0 [sflag:s8], $0x0  }
0x24: {  	s3 =	sadd.s32 $0x88, s3;
	s6 =	simm.s32 @!p1 $0x1082;
	[sflag:s4] =	ssyncset.s32 $0xFFFFF086  }
0x25: {  	[simem:s6], [sflag:s4] =	dma.local [hbm:s3], $0xF7A  }
0x26: {  	[smem:$0x3FA0] =	sst s1;
	(tag) =	ssettag s2;
	_ =	strace s9  }
0x27: {  	s1 =	sld [smem:$0x3FB0]  }
0x28: {  	s2 =	sld [smem:$0x3FB1]  }
0x29: {  	s4 =	sld [smem:$0x3FB3]  }
0x2a: {  	p0 =	seq.s32 s5, $0x0;
	s5 =	sld [smem:$0x3FB4]  }
0x2b: {  	s6 =	sld [smem:$0x3FB5]  }
0x2c: {  	s7 =	sld [smem:$0x3FB6]  }
0x2d: {  	s3 =	simm.s32 $0x108;
	s8 =	sld [smem:$0x3FB7]  }
0x2e: {  	s3 =	simm.s32 @!p0 $0x1082;
	s9 =	sld [smem:$0x3FB8]  }
0x2f: {  	lr =	sadd.s32 s0, s3;
	s0 =	sld [smem:$0x3FAF]  }
0x30: {  	s3 =	sld [smem:$0x3FB2]  }
0x31: {  	[smem:$0x3FBB] =	sst s10  }
0x32: {  	s10 =	sld [smem:$0x3FB9];
	_ =	sdelay $0x3  }
0x33: {  	p0 =	seq.s32 s10, $0x1;
	s10 =	sld [smem:$0x3FBB];
	_ =	sdelay $0x3  }
0x34: {  	[smem:$0x3FBB] =	sst s10  }
0x35: {  	s10 =	sld [smem:$0x3FBA];
	_ =	sdelay $0x3  }
0x36: {  	p1 =	seq.s32 s10, $0x1;
	s10 =	sld [smem:$0x3FBB];
	_ =	sdelay $0x3  }
0x37: {  	[smem:$0x3FBB] =	sst s10  }
0x38: {  	s10 =	sld [smem:$0x3FBC]  }
0x39: {  	_ = 	snop;
	(pc) =	sbr.ind lr, $3  }
0x3a: {  	_ = 	snop  }
0x3b: {  	_ = 	snop  }
0x3c: {  	p2 =	seq.s32 s10, $0x1;
	s10 =	sld [smem:$0x3FBB]  }
0x3d: {  	_ =	shalt  }
0x3e: {  	_ =	shalt  }
0x3f: {  	_ =	shalt  }
0x40: {  	_ =	shalt  }
0x41: {  	_ =	shalt  }
0x42: {  	_ =	shalt  }
0x43: {  	_ =	shalt  }
0x44: {  	_ =	shalt  }
0x45: {  	_ =	shalt  }
0x46: {  	_ =	shalt  }
0x47: {  	_ =	shalt  }
0x48: {  	_ =	shalt  }
0x49: {  	_ =	shalt  }
0x4a: {  	_ =	shalt  }
0x4b: {  	_ =	shalt  }
0x4c: {  	_ =	shalt  }
0x4d: {  	_ =	shalt  }
0x4e: {  	_ =	shalt  }
0x4f: {  	_ =	shalt  }
0x50: {  	_ =	shalt  }
0x51: {  	_ =	shalt  }
0x52: {  	_ =	shalt  }
0x53: {  	_ =	shalt  }
0x54: {  	_ =	shalt  }
0x55: {  	_ =	shalt  }
0x56: {  	_ =	shalt  }
0x57: {  	_ =	shalt  }
0x58: {  	_ =	shalt  }
0x59: {  	_ =	shalt  }
0x5a: {  	_ =	shalt  }
0x5b: {  	_ =	shalt  }
0x5c: {  	_ =	shalt  }
0x5d: {  	_ =	shalt  }
0x5e: {  	_ =	shalt  }
0x5f: {  	_ =	shalt  }
0x60: {  	_ =	shalt  }
0x61: {  	_ =	shalt  }
0x62: {  	_ =	shalt  }
0x63: {  	_ =	shalt  }
0x64: {  	_ =	shalt  }
0x65: {  	_ =	shalt  }
0x66: {  	_ =	shalt  }
0x67: {  	_ =	shalt  }
0x68: {  	_ =	shalt  }
0x69: {  	_ =	shalt  }
0x6a: {  	_ =	shalt  }
0x6b: {  	_ =	shalt  }
0x6c: {  	_ =	shalt  }
0x6d: {  	_ =	shalt  }
0x6e: {  	_ =	shalt  }
0x6f: {  	_ =	shalt  }
0x70: {  	_ =	shalt  }
0x71: {  	_ =	shalt  }
0x72: {  	_ =	shalt  }
0x73: {  	_ =	shalt  }
0x74: {  	_ =	shalt  }
0x75: {  	_ =	shalt  }
0x76: {  	_ =	shalt  }
0x77: {  	_ =	shalt  }
0x78: {  	_ =	shalt  }
0x79: {  	_ =	shalt  }
0x7a: {  	_ =	shalt  }
0x7b: {  	_ =	shalt  }
0x7c: {  	_ =	shalt  }
0x7d: {  	_ =	shalt  }
0x7e: {  	_ =	shalt  }
0x7f: {  	_ =	shalt  }
0x80: {  	_ =	shalt  }
0x81: {  	_ =	shalt  }
0x82: {  	_ =	shalt  }
0x83: {  	_ =	shalt  }
0x84: {  	_ =	shalt  }
0x85: {  	_ =	shalt  }
0x86: {  	_ =	shalt  }
0x87: {  	_ =	shalt  }
.Lfunc_end0:
.L_simem_size_0:
called_computation_lowered:
.L_overlay_start_0:
0x88: {  	s2 =	sld [smem:$0x3FD9]  }
0x89: {  	s3 =	sld [smem:$0x3FFE];
	_ =	sdelay $0x1  }
0x8a: {  	s1 =	srdreg.scid  }
0x8b: {  	s0 =	sand.u32 $0x1, s1  }
0x8c: {  	s17 =	sshll.u32 s0, $0xA;
	s2 =	sadd.s32 s3, s2  }
0x8d: {  	s2 =	sadd.s32 s2, s17  }
0x8e: {  	[smem:$0x3FC7] =	sst s2  }
0x8f: {  	_ = 	snop  }
0x90: {  	s2 =	sld [smem:$0x3FD0];
	(tm) =	ssettm $0x1  }
0x91: {  	s18 =	sld [smem:$0x3FFB];
	_ =	sdelay $0x3  }
0x92: {  	_ =	strace s18  }
0x93: {  	s3 =	sld [smem:$0x3FFC];
	_ =	sdelay $0x3  }
0x94: {  	_ =	strace s3  }
0x95: {  	s3 =	sld [smem:$0x3FFD];
	_ =	sdelay $0x3  }
0x96: {  	_ =	strace s3  }
0x97: {  	_ =	strace $0x8FFFFFFF  }
0x98: {  	s19 =	sld [smem:$0x3FDB];
	_ =	sdelay $0x1  }
0x99: {  	s4 =	simm.s32 $_scs_section_size  }
0x9a: {  	s5 =	simm.s32 $_size__tile_overlayer_lowered;
	s6 =	simm.s32 $_tile_overlayer_lowered  }
0x9b: {  	s22 =	simm.s32 $0x1BFF;
	s21 =	sshll.u32 s6, $0x1;
	s3 =	sadd.s32 s4, s19  }
0x9c: {  	s7 =	simm.s32 $0x0;
	s20 =	sshll.u32 s5, $0x1;
	s5 =	sadd.s32 s21, s3  }
0x9d: {  	[timem:s7], [sflag:s22] =	dma.local [hbm:s5], s20  }
0x9e: {  	_ =	swait.ge [sflag:s22], s20  }
0x9f: {  	s4 =	ssub.s32 $0x0, s20;
	[sflag:s22] =	ssyncset.done $0x0  }
0xa0: {  	[sflag:s22] =	ssyncadd.s32 s4;
	_ =	sdelay $0x1  }
0xa1: {  	s23 =	simm.s32 $0x1B8B  }
0xa2: {  	_ =	swait.ge [sflag:s23], $0x1  }
0xa3: {  	[sflag:s23] =	ssyncset.done $0x0  }
0xa4: {  	s25 =	simm.s32 $0x1B8E;
	s24 =	sld [smem:$0x3FFE];
	[sflag:s23] =	ssyncadd.s32 $0xFFFFFFFF  }
0xa5: {  	s26 =	simm.s32 $execute0_lowered;
	[smem:$0x3FD2] =	sst s25  }
0xa6: {  	s5 =	sshll.u32 s26, $0x1;
	_ =	strace $0x80000046;
	[dreg:$0x1] =	wrdreg $0xFFFFFFFF  }
0xa7: {  	s28 =	simm.s32 $_size_execute0_lowered;
	s3 =	sadd.s32 s3, s5;
	[dreg:$0x0] =	wrdreg $0x0  }
0xa8: {  	s5 =	sshll.u32 s28, $0x1;
	[dreg:$0x2] =	wrdreg s3  }
0xa9: {  	[dreg:$0x3] =	wrdreg s5  }
0xaa: {  	[dreg:$0x4] =	wrdreg $0xC0  }
0xab: {  	_ =	task [dreg:s7], $0x5FFFF  }
0xac: {  	[dreg:$0x1] =	wrdreg $0xFFFFFFFF  }
0xad: {  	[dreg:$0x0] =	wrdreg $0x60  }
0xae: {  	[dreg:$0x2] =	wrdreg s2  }
0xaf: {  	[dreg:$0x3] =	wrdreg s24  }
0xb0: {  	[dreg:$0x4] =	wrdreg $0x2DA00  }
0xb1: {  	[dreg:$0x5] =	wrdreg $0x9  }
0xb2: {  	_ =	task.clear_ibuf [dreg:s7], $0x6FFFF;
	_ =	strace $0x90000046  }
0xb3: {  	s29 =	simm.s32 $0x9;
	_ =	strace $0x80000048  }
0xb4: {  	_ =	swait.ge [sflag:s29], $0x1  }
0xb5: {  	[sflag:s29] =	ssyncadd.s32 $0xFFFFFFFF  }
0xb6: {  	_ =	strace $0x90000048  }
0xb7: {  	_ =	sfence  }
0xb8: {  	s30 =	sld [smem:$0x0];
	_ =	sdelay $0x2  }
0xb9: {  	s31 =	sshll.u32 s1, $0xD;
	s1 =	sshrl.u32 s1, $0x2  }
0xba: {  	s3 =	sand.u32 $0x4000, s31;
	s1 =	sadd.s32 s1, s30  }
0xbb: {  	s0 =	sor.u32 s3, s0;
	s1 =	sshll.u32 s1, $0x11  }
0xbc: {  	s0 =	sor.u32 s1, s0  }
0xbd: {  	s0 =	sadd.s32 $0x8F2B, s0  }
0xbe: {  	[sflag:s0] =	ssyncadd.remote.s32 $0x1  }
0xbf: {  	_ =	sfence.sel $0xFFFF  }
0xc0: {  	[dreg:$0x0] =	wrdreg $0xFFFFFFFF;
	(pc) =	sbr.abs _section_cstart, $3  }
0xc1: {  	[dreg:$0x1] =	wrdreg $0xFFFFFFFF  }
0xc2: {  	_ =	task.clear_ibuf [dreg:s7], $0x2FFFF;
	_ =	strace $0x9FFFFFFF  }
0xc3: {  	(tm) =	ssettm $0x7FFFFFFF  }
tec
execute0_lowered:
.L_overlay_start_1:
0x0: {  	(tag) =	ssettag $0x1  }
0x1: {  	s4 =	rddreg [dreg:$0x0]  }
0x2: {  	s0 =	srdreg.scid;
	s6 =	rddreg [dreg:$0x1]  }
0x3: {  	s2 =	rddreg [dreg:$0x2];
	s3 =	simm.s32 $0x0;
	s12 =	simm.s32 $0xF0  }
0x4: {  	s13 =	simm.s32 $0x1;
	s5 =	sand.u32 $0x1, s0;
	s0 =	stileid.u32  }
0x5: {  	s17 =	simm.s32 $0x0;
	[smem:$0x7FF] =	sst s3;
	s7 =	smul.u32 $0x4E20, s5  }
0x6: {  	s1 =	sshll.u32 s5, $0x4;
	s5 =	ssub.s32 $0x2, s5;
	s9 =	smul.u32 $0x2710, s0  }
0x7: {  	s11 =	smul.u32 $0x9C40, s0;
	s31 =	sshll.u32 s0, $0x6;
	s8 =	sor.u32 s0, s1  }
0x8: {  	s1 =	rddreg [dreg:$0x3];
	_ =	strace $0x80000047;
	s10 =	sshrl.u32 s5, $0x1  }
0x9: {  	s8 =	smul.u32 $0x4E2, s8;
	s6 =	sadd.s32 s7, s6;
	s5 =	ssub.s32 s5, s10  }
0xa: {  	s15 =	sshrl.u32 s9, $0x3;
	s30 =	sshrl.u32 s11, $0x2;
	s16 =	sadd.s32 s9, s2  }
0xb: {  	s7 =	simm.s32 $0x2;
	s9 =	simm.s32 $0x50;
	s10 =	simm.s32 $0x2710  }
0xc: {  	s11 =	simm.s32 $0xA0;
	s14 =	sadd.s32 $0x400, s6;
	s5 =	smax.u32 s5, $0x1  }
0xd: {  	s6 =	sadd.s32 s30, s2;
	s16 =	sshrl.u32 s16, $0x3;
	s4 =	sadd.s32 s4, s8  }
0xe: {  	v0 =	vimm.f32 $1.000000000e+00;
	v1 =	vimm.f32 $0.0e+00;
	s8 =	simm.s32 $0x2C10;
	s14 =	sadd.s32 s15, s14;
	s15 =	sor.u32 $0x1C02, s31  }
.LBB2_1:
0xf: {  	[tilespmem:s3], [sflag:$0x2] =	stream.linear.gather [hbm4b:s4+s3], $0x2710, $0x38;
	[tilespmem:$0x54B0] =	vst v63  }
0x10: {  	_ =	swait.ge [sflag:s7], $0x2710  }
0x11: {  	[sflag:s7] =	ssyncset.done $0x0  }
0x12: {  	s18 =	simm.s32 $0x40;
	s19 =	simm.s32 $0x0;
	[sflag:s7] =	ssyncadd.s32 $0xFFFFD8F0  }
.LBB2_2:
0x13: {  	p0 =	sne.s32 s18, $0x13C0;
	[tilespmem:s19+$0x2710] =	vst v0;
	s19 =	smov.u32 s18;
	s18 =	sadd.s32 $0x40, s18  }
.Ltmp0:
0x14: {  	(pc) =	sbr.rel @p0 .LBB2_2-.Ltmp0, $2  }
0x15: {  	_ =	sdelay $0x2  }
0x16: {  	s19 =	sshra.s32 s19, $0x2  }
0x17: {  	[tilespmem:s19+$0x2710] =	vst v0  }
0x18: {  	[tilespmem:$0x2C10] =	vst v1  }
0x19: {  	[tilespmem:$0x2C20] =	vst v1  }
0x1a: {  	[tilespmem:$0x2C30] =	vst v1  }
0x1b: {  	[tilespmem:$0x2C40] =	vst v1  }
0x1c: {  	[tilespmem:$0x2C50] =	vst v1  }
0x1d: {  	[tilespmem:$0x2C60] =	vst v1  }
0x1e: {  	[tilespmem:$0x2C70] =	vst v1  }
0x1f: {  	[tilespmem:$0x2C80] =	vst v1  }
0x20: {  	[tilespmem:$0x2C90] =	vst v1  }
0x21: {  	[tilespmem:$0x2CA0] =	vst v1  }
0x22: {  	[tilespmem:$0x2CB0] =	vst v1  }
0x23: {  	[tilespmem:$0x2CC0] =	vst v1  }
0x24: {  	[tilespmem:$0x2CD0] =	vst v1  }
0x25: {  	[tilespmem:$0x2CE0] =	vst v1  }
0x26: {  	[tilespmem:$0x2CF0] =	vst v1  }
0x27: {  	[tilespmem:$0x2D00] =	vst v1  }
0x28: {  	[tilespmem:$0x2D10] =	vst v1  }
0x29: {  	[tilespmem:$0x2D20] =	vst v1  }
0x2a: {  	[tilespmem:$0x2D30] =	vst v1  }
0x2b: {  	[tilespmem:$0x2D40] =	vst v1  }
0x2c: {  	[tilespmem:$0x2D50] =	vst v1  }
0x2d: {  	[tilespmem:$0x2D60] =	vst v1  }
0x2e: {  	[tilespmem:$0x2D70] =	vst v1  }
0x2f: {  	[tilespmem:$0x2D80] =	vst v1  }
0x30: {  	s18 =	sadd.s32 $0x0, s6;
	[tilespmem:$0x2D90] =	vst v1  }
0x31: {  	[spmem:s18] =	stream.linear.scatter [tilespmem:s8], [sflag:$0x2], $0x190, $0x38;
	[tilespmem:$0x54B0] =	vst v63  }
0x32: {  	s18 =	simm.s32 $0x640;
	_ =	swait.ge [sflag:s7], $0x190  }
.LBB2_4:
0x33: {  	s19 =	sshra.s32 s18, $0x2;
	[sflag:s7] =	ssyncset.done $0x0;
	p0 =	sne.s32 s18, $0x9600  }
.Ltmp1:
0x34: {  	s19 =	sadd.s32 s19, s6;
	[sflag:s7] =	ssyncadd.s32 $0xFFFFFE70;
	(pc) =	sbr.rel @p0 .LBB2_4-.Ltmp1, $3  }
0x35: {  	[spmem:s19] =	stream.linear.scatter [tilespmem:s8], [sflag:$0x2], $0x190, $0x38;
	[tilespmem:$0x54B0] =	vst v63  }
0x36: {  	s18 =	sadd.s32 $0x640, s18;
	_ =	sdelay $0x1  }
0x37: {  	_ =	swait.ge [sflag:s7], $0x190  }
0x38: {  	[sflag:s7] =	ssyncset.done $0x0  }
0x39: {  	[sflag:s7] =	ssyncadd.s32 $0xFFFFFE70  }
0x3a: {  	[bflag:$0x0] =	sbarrier.arrive $0xFFFF  }
0x3b: {  	[spmem:s2] =	stream.indirect.scatter.add.f32 [tilespmem:s10], [sflag:$0x1], $0x10, s3, s9, $0xb8;
	[tilespmem:$0x54B0] =	vst v63  }
0x3c: {  	_ = 	snop  }
0x3d: {  	[spmem:s2] =	stream.indirect.scatter.add.f32 [tilespmem:s10], [sflag:$0x1], $0x10, s9, s9, $0xb8;
	[tilespmem:$0x54B0] =	vst v63  }
0x3e: {  	_ = 	snop  }
0x3f: {  	[spmem:s2] =	stream.indirect.scatter.add.f32 [tilespmem:s10], [sflag:$0x1], $0x10, s11, s9, $0xb8;
	[tilespmem:$0x54B0] =	vst v63  }
0x40: {  	_ = 	snop  }
0x41: {  	[spmem:s2] =	stream.indirect.scatter.add.f32 [tilespmem:s10], [sflag:$0x1], $0x10, s12, s9, $0xb8;
	[tilespmem:$0x54B0] =	vst v63  }
0x42: {  	s18 =	simm.s32 $0x140  }
0x43: {  	[spmem:s2] =	stream.indirect.scatter.add.f32 [tilespmem:s10], [sflag:$0x1], $0x10, s18, s9, $0xb8;
	[tilespmem:$0x54B0] =	vst v63  }
0x44: {  	_ =	swait.ge [sflag:s13], $0x500  }
0x45: {  	s18 =	simm.s32 $0x640;
	[sflag:s13] =	ssyncset.done $0x0  }
.LBB2_6:
0x46: {  	s19 =	sshra.s32 s18, $0x2;
	[sflag:s13] =	ssyncadd.s32 $0xFFFFFB00;
	p0 =	sne.s32 s18, $0x9B00  }
0x47: {  	[spmem:s2] =	stream.indirect.scatter.add.f32 [tilespmem:s10], [sflag:$0x1], $0x10, s19, s9, $0xb8;
	[tilespmem:$0x54B0] =	vst v63  }
.Ltmp2:
0x48: {  	_ = 	snop;
	(pc) =	sbr.rel @p0 .LBB2_6-.Ltmp2, $4  }
0x49: {  	_ = 	snop  }
0x4a: {  	s18 =	sadd.s32 $0x140, s18  }
0x4b: {  	_ =	swait.ge [sflag:s13], $0x500  }
0x4c: {  	[sflag:s13] =	ssyncset.done $0x0  }
0x4d: {  	[sflag:s13] =	ssyncadd.s32 $0xFFFFFB00  }
0x4e: {  	_ =	swait.ge [sflag:s13], $0x500  }
0x4f: {  	[sflag:s13] =	ssyncset.done $0x0  }
0x50: {  	[sflag:s13] =	ssyncadd.s32 $0xFFFFFB00  }
0x51: {  	_ =	swait.ge [sflag:s13], $0x500  }
0x52: {  	[sflag:s13] =	ssyncset.done $0x0  }
0x53: {  	[sflag:s13] =	ssyncadd.s32 $0xFFFFFB00  }
0x54: {  	_ =	swait.ge [sflag:s13], $0x500  }
0x55: {  	[sflag:s13] =	ssyncset.done $0x0  }
0x56: {  	[sflag:s13] =	ssyncadd.s32 $0xFFFFFB00  }
0x57: {  	_ =	swait.ge [sflag:s13], $0x500  }
0x58: {  	s17 =	sadd.s32 $0x1, s17;
	[sflag:s13] =	ssyncset.done $0x0  }
0x59: {  	p0 =	sne.s32 s17, s5;
	[sflag:s13] =	ssyncadd.s32 $0xFFFFFB00  }
.Ltmp3:
0x5a: {  	[bflag:$0x0] =	sbarrier.arrive $0xFFFF;
	(pc) =	sbr.rel @p0 .LBB2_1-.Ltmp3, $4  }
0x5b: {  	[hbm:s14], [sflag:s15] =	dma.local [spmem:s16], $0x4E2  }
0x5c: {  	_ =	swait.ge [sflag:s7], $0x4E2  }
0x5d: {  	[sflag:s7] =	ssyncset.done $0x0  }
0x5e: {  	[sflag:s7] =	ssyncadd.s32 $0xFFFFFB1E  }
0x5f: {  	_ =	sfence.sel $0x180000  }
0x60: {  	[bflag:$0x0] =	sbarrier.arrive $0xFFFF  }
0x61: {  	p0 =	sne.s32 s0, $0x0;
	_ =	strace $0x90000047  }
0x62: {  	s0 =	sadd.s32 @!p0 $0x100000, s1;
	[bflag:$0x2] =	sbarrier.arrive $0xFFFF  }
0x63: {  	[sflag:s0] =	ssyncadd.tile.s32 @!p0 $0x1;
	_ =	shalt  }
.Lfunc_end2:
_tile_overlayer_lowered:
.L_overlay_start_2:
0x64: {  	(tag) =	ssettag $0x2  }
0x65: {  	s0 =	rddreg [dreg:$0x0];
	s2 =	stileid.u32  }
0x66: {  	s1 =	rddreg [dreg:$0x1];
	p0 =	sne.s32 s2, $0x0  }
0x67: {  	s3 =	rddreg [dreg:$0x2];
	[bflag:$0x3] =	sbarrier.arrive $0xFFFF;
	s2 =	simm.s32 @!p0 $0x1C02  }
0x68: {  	[timem:s3], [sflag:s2] =	dma.local @!p0 [hbm:s0], s1  }
0x69: {  	s0 =	simm.s32 @!p0 $0x2  }
0x6a: {  	_ =	swait.ge @!p0 [sflag:s0], s1  }
0x6b: {  	s1 =	ssub.s32 @!p0 $0x0, s1;
	[sflag:s0] =	ssyncset.done @!p0 $0x0  }
0x6c: {  	[sflag:s0] =	ssyncadd.s32 @!p0 s1  }
0x6d: {  	[bflag:$0x3] =	sbarrier.arrive $0xFFFF  }
0x6e: {  	_ =	shalt  }

</sc_bundles>
